<compile_context>
chip_gen: v7x
topology: tpu7x:2x2x1
jax: 0.10.2.dev20260603
libtpu: 0.0.44.dev20260713+nightly
codegen_flags: <defaults>
</compile_context>

<pallas_src>
import functools
import math

import jax
import jax.numpy as jnp
import numpy as np
from jax import lax
from jax.experimental import pallas as pl
from jax.experimental.pallas import tpu as pltpu
from jax.experimental.pallas import tpu_sc as plsc

D_MODEL = 256
N_NODES = 250
N_PAD = 256
MAX_LEN = 500
N_EDGES = 16000
LANES = 16
N_CORES = 2
N_TILES = 16 * N_CORES
N_EGROUPS = 8
N_RGROUPS = N_TILES // N_EGROUPS
ROWS_PER_TILE = N_PAD // N_RGROUPS
EPG = N_EDGES // N_EGROUPS
EPG_BUF = 2560
EPG_STEP = 1920
EPG_OFF = 80


def _make_pe_ext() -> np.ndarray:
    position = np.arange(MAX_LEN, dtype=np.float32)[:, None]
    div_term = np.exp(
        np.arange(0, D_MODEL, 2, dtype=np.float32) * (-math.log(10000.0) / D_MODEL)
    )
    pe = np.zeros((512, D_MODEL), dtype=np.float32)
    pe[:MAX_LEN, 0::2] = np.sin(position * div_term)
    pe[:MAX_LEN, 1::2] = np.cos(position * div_term)
    return pe


_PE_EXT = _make_pe_ext()


def _sc_edge_counts_body(edges_hbm, out_hbm, ed_v, slab, sem_s):
    wid = lax.axis_index("c") * 16 + lax.axis_index("s")
    g = wid % N_EGROUPS
    r = wid // N_EGROUPS
    lo = r * ROWS_PER_TILE
    off = EPG_OFF * g

    cp = pltpu.async_copy(
        edges_hbm.at[:, pl.ds(EPG_STEP * g, EPG_BUF)], ed_v, sem_s)

    zeros = jnp.zeros((LANES,), jnp.float32)

    def zero_row(i, carry):
        for k in range(N_PAD // LANES):
            slab[i, pl.ds(k * LANES, LANES)] = zeros
        return carry

    lax.fori_loop(0, ROWS_PER_TILE, zero_row, 0)
    cp.wait()

    ones = jnp.ones((LANES,), jnp.float32)

    UNROLL = 5

    def edge_body(i, carry):
        for u in range(UNROLL):
            base = off + (UNROLL * i + u) * LANES
            sv = ed_v[0, pl.ds(base, LANES)]
            dv = ed_v[1, pl.ds(base, LANES)]
            m = (dv >= lo) & (dv < lo + ROWS_PER_TILE)
            plsc.addupdate_scatter(slab, [dv - lo, sv], ones, mask=m)
        return carry

    lax.fori_loop(0, EPG // LANES // UNROLL, edge_body, 0)

    pltpu.sync_copy(slab, out_hbm.at[pl.ds(g * N_PAD + lo, ROWS_PER_TILE)])


@functools.cache
def _sc_edge_counts():
    mesh = plsc.VectorSubcoreMesh(
        core_axis_name="c", subcore_axis_name="s", num_cores=2, num_subcores=16)
    return pl.kernel(
        _sc_edge_counts_body,
        out_type=jax.ShapeDtypeStruct((N_EGROUPS * N_PAD, N_PAD), jnp.float32),
        mesh=mesh,
        compiler_params=pltpu.CompilerParams(needs_layout_passes=False),
        scratch_types=[
            pltpu.VMEM((2, EPG_BUF), jnp.int32),
            pltpu.VMEM((ROWS_PER_TILE, N_PAD), jnp.float32),
            pltpu.SemaphoreType.DMA,
        ],
    )


def _tc1_body(x_ref, pe_ref, w1_ref, hw1_ref):
    f32 = jnp.float32
    i32 = jnp.int32

    xa = x_ref[...]
    rv500 = xa[0:1] * 2 + xa[1:2]
    rv = jnp.concatenate(
        [rv500, jnp.full((1, 512 - MAX_LEN), -1, i32)], axis=1)
    rvb = jnp.broadcast_to(rv, (N_PAD, 512))
    nid = lax.broadcasted_iota(i32, (N_PAD, 512), 0)
    jid = lax.broadcasted_iota(i32, (N_PAD, 512), 1)
    pe = pe_ref[...]

    def slot_embed(slot):
        hit = rvb == (2 * nid + slot)
        jstar = jnp.max(jnp.where(hit, jid, -1), axis=1, keepdims=True)
        onehot = jnp.where(hit & (jid == jstar), f32(1.0), f32(0.0))
        return jnp.dot(onehot, pe, preferred_element_type=f32)

    emb_a = slot_embed(0)
    emb_b = slot_embed(1)

    hw1_ref[...] = (
        jnp.dot(emb_a, w1_ref[0:D_MODEL], preferred_element_type=f32)
        + jnp.dot(emb_b, w1_ref[D_MODEL:], preferred_element_type=f32))


_tc1 = pl.pallas_call(
    _tc1_body,
    out_shape=jax.ShapeDtypeStruct((N_PAD, D_MODEL), jnp.float32),
)


def _tc2_body(c_ref, hw1_ref, b1_ref, w2_ref, b2_ref, wc_ref, bc_ref, out_ref):
    f32 = jnp.float32
    i32 = jnp.int32

    ca = c_ref[...]
    cf = ca[0:N_PAD]
    for gi in range(1, N_EGROUPS):
        cf = cf + ca[gi * N_PAD:(gi + 1) * N_PAD]
    r_i = lax.broadcasted_iota(i32, (N_PAD, N_PAD), 0)
    c_i = lax.broadcasted_iota(i32, (N_PAD, N_PAD), 1)
    cf = cf + jnp.where((r_i == c_i) & (r_i < N_NODES), f32(1.0), f32(0.0))
    deg = jnp.sum(cf, axis=1, keepdims=True)
    dinv = jnp.where(deg > 0, lax.rsqrt(deg), f32(0.0))

    h1 = jnp.maximum(
        dinv * jnp.dot(cf, dinv * hw1_ref[...], preferred_element_type=f32)
        + b1_ref[...], f32(0.0))
    hw2 = jnp.dot(h1, w2_ref[...], preferred_element_type=f32)
    h2 = jnp.maximum(
        dinv * jnp.dot(cf, dinv * hw2, preferred_element_type=f32) + b2_ref[...],
        f32(0.0))

    rowmask = jnp.where(
        lax.broadcasted_iota(i32, (N_PAD, 1), 0) < N_NODES, f32(1.0), f32(0.0))
    pooled = jnp.sum(h2 * rowmask, axis=0, keepdims=True) * f32(1.0 / N_NODES)
    logits = jnp.dot(pooled, wc_ref[...], preferred_element_type=f32) + bc_ref[...]
    out_ref[...] = jax.nn.sigmoid(logits)


_tc2 = pl.pallas_call(
    _tc2_body,
    out_shape=jax.ShapeDtypeStruct((1, 1), jnp.float32),
)


def kernel(x, edge_index, W1, b1, W2, b2, Wc, bc):
    hw1 = _tc1(x.astype(jnp.int32), jnp.asarray(_PE_EXT), W1)
    counts = _sc_edge_counts()(edge_index.astype(jnp.int32))
    return _tc2(counts, hw1, b1.reshape(1, D_MODEL), W2,
                b2.reshape(1, D_MODEL), Wc, bc.reshape(1, 1))

# --- scband reference (transcript-rebuilt; emitter-appended) ---
"""Pipeline reference for scband-value-gcn-23433341567226 (READ-ONLY COPY).

The authoritative reference and input builder live on the scoring server;
editing this copy changes nothing except your own understanding.
"""

import jax, jax.numpy as jnp
import numpy as np
import math

D_MODEL = 256
HIDDEN = 256
MAX_LEN = 500
NUM_NODES = 250
NUM_EDGES = 16000


def make_pe():
    position = jnp.arange(MAX_LEN, dtype=jnp.float32)[:, None]
    div_term = jnp.exp(jnp.arange(0, D_MODEL, 2, dtype=jnp.float32) * (-math.log(10000.0) / D_MODEL))
    pe = jnp.zeros((MAX_LEN, D_MODEL), dtype=jnp.float32)
    pe = pe.at[:, 0::2].set(jnp.sin(position * div_term))
    pe = pe.at[:, 1::2].set(jnp.cos(position * div_term))
    return pe


def pe_encode(x, pe):
    num_nodes = x.shape[1] // 2
    emb = jnp.zeros((num_nodes, 2, D_MODEL), dtype=pe.dtype)
    emb = emb.at[x[0], x[1]].set(pe[: num_nodes * 2])
    return emb.reshape(num_nodes, 2 * D_MODEL)


def gcn_conv(x, edge_index, W, b):
    n = x.shape[0]
    loop = jnp.arange(n, dtype=edge_index.dtype)
    src = jnp.concatenate([edge_index[0], loop])
    dst = jnp.concatenate([edge_index[1], loop])
    deg = jnp.zeros((n,), dtype=x.dtype).at[dst].add(1.0)
    dinv = jnp.where(deg > 0, 1.0 / jnp.sqrt(deg), 0.0)
    norm = dinv[src] * dinv[dst]
    h = x @ W
    msg = norm[:, None] * h[src]
    out = jnp.zeros((n, W.shape[1]), dtype=x.dtype).at[dst].add(msg)
    return out + b


def setup_inputs(seed: int = 0) -> dict:
    key = jax.random.key(seed)
    ks = jax.random.split(key, 8)
    x = jax.random.randint(ks[0], (2, 2 * NUM_NODES), 0, 2)
    edge_index = jax.random.randint(ks[1], (2, NUM_EDGES), 0, NUM_NODES)
    W1 = jax.random.normal(ks[2], (2 * D_MODEL, HIDDEN), dtype=jnp.float32) * (1.0 / math.sqrt(2 * D_MODEL))
    b1 = jnp.zeros((HIDDEN,), dtype=jnp.float32)
    W2 = jax.random.normal(ks[3], (HIDDEN, HIDDEN), dtype=jnp.float32) * (1.0 / math.sqrt(HIDDEN))
    b2 = jnp.zeros((HIDDEN,), dtype=jnp.float32)
    Wc = jax.random.normal(ks[4], (HIDDEN, 1), dtype=jnp.float32) * (1.0 / math.sqrt(HIDDEN))
    bc = jnp.zeros((1,), dtype=jnp.float32)
    return {"x": x, "edge_index": edge_index, "W1": W1, "b1": b1, "W2": W2, "b2": b2, "Wc": Wc, "bc": bc}


def reference(x, edge_index, W1, b1, W2, b2, Wc, bc):
    pe = make_pe()
    h = pe_encode(x, pe)
    h = jax.nn.relu(gcn_conv(h, edge_index, W1, b1))
    h = jax.nn.relu(gcn_conv(h, edge_index, W2, b2))
    pooled = jnp.mean(h, axis=0, keepdims=True)
    logits = pooled @ Wc + bc
    return jax.nn.sigmoid(logits)

if __name__ == "__main__":
    import jax
    _d = setup_inputs()
    print(jax.jit(kernel)(*tuple(_d.values())))

</pallas_src>

<mosaic_0001>
#map = affine_map<(d0, d1) -> (0, 0)>
module attributes {stable_mosaic.version = 14 : i64} {
  func.func @_sc_edge_counts_body(%arg0: i32, %arg1: i32, %arg2: memref<2x16000xi32, #tpu.memory_space<hbm>>, %arg3: memref<2048x256xf32, #tpu.memory_space<hbm>>, %arg4: memref<2x2560xi32, #tpu.memory_space<vmem>>, %arg5: memref<64x256xf32, #tpu.memory_space<vmem>>, %arg6: memref<!tpu.dma_semaphore, #tpu.memory_space<semaphore_mem>>) attributes {dimension_semantics = [#tpu.dimension_semantics<core_parallel>, #tpu.dimension_semantics<subcore_parallel>], iteration_bounds = array<i64: 2, 16>, scalar_prefetch = 0 : i64, scratch_operands = 3 : i64, tpu.core_type = #tpu.core_type<sc_vector_subcore>, window_params = [{transform_indices = #map}, {transform_indices = #map}]} {
    %mul3A = arith.constant 16 : i32
    %mul3A_0 = arith.muli %arg0, %mul3A : i32
    %add3A = arith.addi %mul3A_0, %arg1 : i32
    %jit3A = arith.constant 8 : i32
    %eq3A = arith.constant 0 : i32
    %eq3A_1 = arith.cmpi eq, %jit3A, %eq3A : i32
    %jit3A_2 = arith.constant 1 : i32
    %select_n3A = arith.select %eq3A_1, %jit3A_2, %jit3A : i32
    %rem3A = arith.remsi %add3A, %select_n3A : i32
    %ne3A = arith.constant 0 : i32
    %ne3A_3 = arith.cmpi ne, %rem3A, %ne3A : i32
    %lt3A = arith.constant 0 : i32
    %lt3A_4 = arith.cmpi slt, %rem3A, %lt3A : i32
    %lt3A_5 = arith.constant 0 : i32
    %lt3A_6 = arith.cmpi slt, %select_n3A, %lt3A_5 : i32
    %ne3A_7 = arith.xori %lt3A_4, %lt3A_6 : i1
    %and3A = arith.andi %ne3A_7, %ne3A_3 : i1
    %add3A_8 = arith.addi %rem3A, %select_n3A : i32
    %select_n3A_9 = arith.select %and3A, %add3A_8, %rem3A : i32
    %jit3A_10 = arith.constant 8 : i32
    %div3A = arith.divsi %add3A, %jit3A_10 : i32
    %sign3A = arith.constant 0 : i32
    %sign3A_11 = arith.cmpi sgt, %add3A, %sign3A : i32
    %sign3A_12 = arith.extui %sign3A_11 : i1 to i32
    %sign3A_13 = arith.constant 0 : i32
    %sign3A_14 = arith.cmpi slt, %add3A, %sign3A_13 : i32
    %sign3A_15 = arith.extui %sign3A_14 : i1 to i32
    %sign3A_16 = arith.subi %sign3A_12, %sign3A_15 : i32
    %sign3A_17 = arith.constant 0 : i32
    %sign3A_18 = arith.cmpi sgt, %jit3A_10, %sign3A_17 : i32
    %sign3A_19 = arith.extui %sign3A_18 : i1 to i32
    %sign3A_20 = arith.constant 0 : i32
    %sign3A_21 = arith.cmpi slt, %jit3A_10, %sign3A_20 : i32
    %sign3A_22 = arith.extui %sign3A_21 : i1 to i32
    %sign3A_23 = arith.subi %sign3A_19, %sign3A_22 : i32
    %ne3A_24 = arith.cmpi ne, %sign3A_16, %sign3A_23 : i32
    %rem3A_25 = arith.remsi %add3A, %jit3A_10 : i32
    %ne3A_26 = arith.constant 0 : i32
    %ne3A_27 = arith.cmpi ne, %rem3A_25, %ne3A_26 : i32
    %and3A_28 = arith.andi %ne3A_24, %ne3A_27 : i1
    %sub3A = arith.constant 1 : i32
    %sub3A_29 = arith.subi %div3A, %sub3A : i32
    %select_n3A_30 = arith.select %and3A_28, %sub3A_29, %div3A : i32
    %mul3A_31 = arith.constant 64 : i32
    %mul3A_32 = arith.muli %select_n3A_30, %mul3A_31 : i32
    %mul3A_33 = arith.constant 80 : i32
    %mul3A_34 = arith.muli %mul3A_33, %select_n3A_9 : i32
    %mul3A_35 = arith.constant 1920 : i32
    %mul3A_36 = arith.muli %mul3A_35, %select_n3A_9 : i32
    %dma_start3A = arith.constant 0 : i32
    %dma_start3A_37 = tpu.memref_slice %arg2[%dma_start3A, %mul3A_36] : memref<2x16000xi32, #tpu.memory_space<hbm>> -> memref<2x2560xi32, #tpu.memory_space<hbm>>
    %dma_start3A_38 = arith.constant 0 : i32
    %dma_start3A_39 = tpu.memref_slice %arg2[%dma_start3A_38, %mul3A_36] : memref<2x16000xi32, #tpu.memory_space<hbm>> -> memref<2x2560xi32, #tpu.memory_space<hbm>>
    tpu.enqueue_dma source(%dma_start3A_39 : memref<2x2560xi32, #tpu.memory_space<hbm>>) target(%arg4 : memref<2x2560xi32, #tpu.memory_space<vmem>>) target_semaphore(%arg6 : memref<!tpu.dma_semaphore, #tpu.memory_space<semaphore_mem>>)
    %broadcast_in_dim3A = arith.constant 0.000000e+00 : f32
    %broadcast_in_dim3A_40 = vector.broadcast %broadcast_in_dim3A : f32 to vector<16xf32>
    %scan3A = arith.constant 0 : i32
    %scan3A_41 = arith.constant 0 : i32
    %scan3A_42 = arith.constant 64 : i32
    %scan3A_43 = arith.addi %scan3A_41, %scan3A_42 : i32
    %scan3A_44 = arith.constant 1 : i32
    scf.for %scan3A_60 = %scan3A_41 to %scan3A_43 step %scan3A_44  : i32 {
      %swap3A = arith.index_cast %scan3A_60 : i32 to index
      %swap3A_61 = arith.constant 0 : index
      %swap3A_62 = tpu.vector_load %arg5[%swap3A, %swap3A_61] {strides = array<i32>} : memref<64x256xf32, #tpu.memory_space<vmem>>, vector<16xf32>,
      tpu.vector_store %arg5[%swap3A, %swap3A_61], %broadcast_in_dim3A_40 {strides = array<i32>} : memref<64x256xf32, #tpu.memory_space<vmem>>, vector<16xf32>,
      %swap3A_63 = arith.index_cast %scan3A_60 : i32 to index
      %swap3A_64 = arith.constant 16 : index
      %swap3A_65 = tpu.vector_load %arg5[%swap3A_63, %swap3A_64] {strides = array<i32>} : memref<64x256xf32, #tpu.memory_space<vmem>>, vector<16xf32>,
      tpu.vector_store %arg5[%swap3A_63, %swap3A_64], %broadcast_in_dim3A_40 {strides = array<i32>} : memref<64x256xf32, #tpu.memory_space<vmem>>, vector<16xf32>,
      %swap3A_66 = arith.index_cast %scan3A_60 : i32 to index
      %swap3A_67 = arith.constant 32 : index
      %swap3A_68 = tpu.vector_load %arg5[%swap3A_66, %swap3A_67] {strides = array<i32>} : memref<64x256xf32, #tpu.memory_space<vmem>>, vector<16xf32>,
      tpu.vector_store %arg5[%swap3A_66, %swap3A_67], %broadcast_in_dim3A_40 {strides = array<i32>} : memref<64x256xf32, #tpu.memory_space<vmem>>, vector<16xf32>,
      %swap3A_69 = arith.index_cast %scan3A_60 : i32 to index
      %swap3A_70 = arith.constant 48 : index
      %swap3A_71 = tpu.vector_load %arg5[%swap3A_69, %swap3A_70] {strides = array<i32>} : memref<64x256xf32, #tpu.memory_space<vmem>>, vector<16xf32>,
      tpu.vector_store %arg5[%swap3A_69, %swap3A_70], %broadcast_in_dim3A_40 {strides = array<i32>} : memref<64x256xf32, #tpu.memory_space<vmem>>, vector<16xf32>,
      %swap3A_72 = arith.index_cast %scan3A_60 : i32 to index
      %swap3A_73 = arith.constant 64 : index
      %swap3A_74 = tpu.vector_load %arg5[%swap3A_72, %swap3A_73] {strides = array<i32>} : memref<64x256xf32, #tpu.memory_space<vmem>>, vector<16xf32>,
      tpu.vector_store %arg5[%swap3A_72, %swap3A_73], %broadcast_in_dim3A_40 {strides = array<i32>} : memref<64x256xf32, #tpu.memory_space<vmem>>, vector<16xf32>,
      %swap3A_75 = arith.index_cast %scan3A_60 : i32 to index
      %swap3A_76 = arith.constant 80 : index
      %swap3A_77 = tpu.vector_load %arg5[%swap3A_75, %swap3A_76] {strides = array<i32>} : memref<64x256xf32, #tpu.memory_space<vmem>>, vector<16xf32>,
      tpu.vector_store %arg5[%swap3A_75, %swap3A_76], %broadcast_in_dim3A_40 {strides = array<i32>} : memref<64x256xf32, #tpu.memory_space<vmem>>, vector<16xf32>,
      %swap3A_78 = arith.index_cast %scan3A_60 : i32 to index
      %swap3A_79 = arith.constant 96 : index
      %swap3A_80 = tpu.vector_load %arg5[%swap3A_78, %swap3A_79] {strides = array<i32>} : memref<64x256xf32, #tpu.memory_space<vmem>>, vector<16xf32>,
      tpu.vector_store %arg5[%swap3A_78, %swap3A_79], %broadcast_in_dim3A_40 {strides = array<i32>} : memref<64x256xf32, #tpu.memory_space<vmem>>, vector<16xf32>,
      %swap3A_81 = arith.index_cast %scan3A_60 : i32 to index
      %swap3A_82 = arith.constant 112 : index
      %swap3A_83 = tpu.vector_load %arg5[%swap3A_81, %swap3A_82] {strides = array<i32>} : memref<64x256xf32, #tpu.memory_space<vmem>>, vector<16xf32>,
      tpu.vector_store %arg5[%swap3A_81, %swap3A_82], %broadcast_in_dim3A_40 {strides = array<i32>} : memref<64x256xf32, #tpu.memory_space<vmem>>, vector<16xf32>,
      %swap3A_84 = arith.index_cast %scan3A_60 : i32 to index
      %swap3A_85 = arith.constant 128 : index
      %swap3A_86 = tpu.vector_load %arg5[%swap3A_84, %swap3A_85] {strides = array<i32>} : memref<64x256xf32, #tpu.memory_space<vmem>>, vector<16xf32>,
      tpu.vector_store %arg5[%swap3A_84, %swap3A_85], %broadcast_in_dim3A_40 {strides = array<i32>} : memref<64x256xf32, #tpu.memory_space<vmem>>, vector<16xf32>,
      %swap3A_87 = arith.index_cast %scan3A_60 : i32 to index
      %swap3A_88 = arith.constant 144 : index
      %swap3A_89 = tpu.vector_load %arg5[%swap3A_87, %swap3A_88] {strides = array<i32>} : memref<64x256xf32, #tpu.memory_space<vmem>>, vector<16xf32>,
      tpu.vector_store %arg5[%swap3A_87, %swap3A_88], %broadcast_in_dim3A_40 {strides = array<i32>} : memref<64x256xf32, #tpu.memory_space<vmem>>, vector<16xf32>,
      %swap3A_90 = arith.index_cast %scan3A_60 : i32 to index
      %swap3A_91 = arith.constant 160 : index
      %swap3A_92 = tpu.vector_load %arg5[%swap3A_90, %swap3A_91] {strides = array<i32>} : memref<64x256xf32, #tpu.memory_space<vmem>>, vector<16xf32>,
      tpu.vector_store %arg5[%swap3A_90, %swap3A_91], %broadcast_in_dim3A_40 {strides = array<i32>} : memref<64x256xf32, #tpu.memory_space<vmem>>, vector<16xf32>,
      %swap3A_93 = arith.index_cast %scan3A_60 : i32 to index
      %swap3A_94 = arith.constant 176 : index
      %swap3A_95 = tpu.vector_load %arg5[%swap3A_93, %swap3A_94] {strides = array<i32>} : memref<64x256xf32, #tpu.memory_space<vmem>>, vector<16xf32>,
      tpu.vector_store %arg5[%swap3A_93, %swap3A_94], %broadcast_in_dim3A_40 {strides = array<i32>} : memref<64x256xf32, #tpu.memory_space<vmem>>, vector<16xf32>,
      %swap3A_96 = arith.index_cast %scan3A_60 : i32 to index
      %swap3A_97 = arith.constant 192 : index
      %swap3A_98 = tpu.vector_load %arg5[%swap3A_96, %swap3A_97] {strides = array<i32>} : memref<64x256xf32, #tpu.memory_space<vmem>>, vector<16xf32>,
      tpu.vector_store %arg5[%swap3A_96, %swap3A_97], %broadcast_in_dim3A_40 {strides = array<i32>} : memref<64x256xf32, #tpu.memory_space<vmem>>, vector<16xf32>,
      %swap3A_99 = arith.index_cast %scan3A_60 : i32 to index
      %swap3A_100 = arith.constant 208 : index
      %swap3A_101 = tpu.vector_load %arg5[%swap3A_99, %swap3A_100] {strides = array<i32>} : memref<64x256xf32, #tpu.memory_space<vmem>>, vector<16xf32>,
      tpu.vector_store %arg5[%swap3A_99, %swap3A_100], %broadcast_in_dim3A_40 {strides = array<i32>} : memref<64x256xf32, #tpu.memory_space<vmem>>, vector<16xf32>,
      %swap3A_102 = arith.index_cast %scan3A_60 : i32 to index
      %swap3A_103 = arith.constant 224 : index
      %swap3A_104 = tpu.vector_load %arg5[%swap3A_102, %swap3A_103] {strides = array<i32>} : memref<64x256xf32, #tpu.memory_space<vmem>>, vector<16xf32>,
      tpu.vector_store %arg5[%swap3A_102, %swap3A_103], %broadcast_in_dim3A_40 {strides = array<i32>} : memref<64x256xf32, #tpu.memory_space<vmem>>, vector<16xf32>,
      %swap3A_105 = arith.index_cast %scan3A_60 : i32 to index
      %swap3A_106 = arith.constant 240 : index
      %swap3A_107 = tpu.vector_load %arg5[%swap3A_105, %swap3A_106] {strides = array<i32>} : memref<64x256xf32, #tpu.memory_space<vmem>>, vector<16xf32>,
      tpu.vector_store %arg5[%swap3A_105, %swap3A_106], %broadcast_in_dim3A_40 {strides = array<i32>} : memref<64x256xf32, #tpu.memory_space<vmem>>, vector<16xf32>,
    }
    %scan3A_45 = arith.constant 64 : i32
    %dma_wait3A = arith.constant 0 : i32
    %dma_wait3A_46 = tpu.memref_slice %arg2[%dma_wait3A, %mul3A_36] : memref<2x16000xi32, #tpu.memory_space<hbm>> -> memref<2x2560xi32, #tpu.memory_space<hbm>>
    %dma_wait3A_47 = arith.constant 0 : i32
    %dma_wait3A_48 = tpu.memref_slice %arg2[%dma_wait3A_47, %mul3A_36] : memref<2x16000xi32, #tpu.memory_space<hbm>> -> memref<2x2560xi32, #tpu.memory_space<hbm>>
    tpu.wait_dma2 semaphore(%arg6 : memref<!tpu.dma_semaphore, #tpu.memory_space<semaphore_mem>>) src(%dma_wait3A_48 : memref<2x2560xi32, #tpu.memory_space<hbm>>) dst(%arg4 : memref<2x2560xi32, #tpu.memory_space<vmem>>)
    %broadcast_in_dim3A_49 = arith.constant 1.000000e+00 : f32
    %broadcast_in_dim3A_50 = vector.broadcast %broadcast_in_dim3A_49 : f32 to vector<16xf32>
    %scan3A_51 = arith.constant 0 : i32
    %scan3A_52 = arith.constant 0 : i32
    %scan3A_53 = arith.constant 25 : i32
    %scan3A_54 = arith.addi %scan3A_52, %scan3A_53 : i32
    %scan3A_55 = arith.constant 1 : i32
    scf.for %scan3A_60 = %scan3A_52 to %scan3A_54 step %scan3A_55  : i32 {
      %mul3A_61 = arith.constant 5 : i32
      %mul3A_62 = arith.muli %mul3A_61, %scan3A_60 : i32
      %add3A_63 = arith.constant 0 : i32
      %add3A_64 = arith.addi %mul3A_62, %add3A_63 : i32
      %mul3A_65 = arith.constant 16 : i32
      %mul3A_66 = arith.muli %add3A_64, %mul3A_65 : i32
      %add3A_67 = arith.addi %mul3A_34, %mul3A_66 : i32
      %get3A = arith.constant 0 : i32
      %get3A_68 = arith.index_cast %get3A : i32 to index
      %get3A_69 = arith.index_cast %add3A_67 : i32 to index
      %get3A_70 = tpu.vector_load %arg4[%get3A_68, %get3A_69] {strides = array<i32>} : memref<2x2560xi32, #tpu.memory_space<vmem>>, vector<16xi32>,
      %get3A_71 = arith.constant 1 : i32
      %get3A_72 = arith.index_cast %get3A_71 : i32 to index
      %get3A_73 = arith.index_cast %add3A_67 : i32 to index
      %get3A_74 = tpu.vector_load %arg4[%get3A_72, %get3A_73] {strides = array<i32>} : memref<2x2560xi32, #tpu.memory_space<vmem>>, vector<16xi32>,
      %ge3A = vector.broadcast %mul3A_32 : i32 to vector<16xi32>
      %ge3A_75 = arith.cmpi sge, %get3A_74, %ge3A : vector<16xi32>
      %add3A_76 = arith.constant 64 : i32
      %add3A_77 = arith.addi %mul3A_32, %add3A_76 : i32
      %lt3A_78 = vector.broadcast %add3A_77 : i32 to vector<16xi32>
      %lt3A_79 = arith.cmpi slt, %get3A_74, %lt3A_78 : vector<16xi32>
      %and3A_80 = arith.andi %ge3A_75, %lt3A_79 : vector<16xi1>
      %sub3A_81 = vector.broadcast %mul3A_32 : i32 to vector<16xi32>
      %sub3A_82 = arith.subi %get3A_74, %sub3A_81 : vector<16xi32>
      tpu.vector_store_idx %arg5[%sub3A_82, %get3A_70], %broadcast_in_dim3A_50 masked %and3A_80 {add = true} : memref<64x256xf32, #tpu.memory_space<vmem>>[vector<16xi32>, vector<16xi32>], vector<16xf32>, vector<16xi1>
      %mul3A_83 = arith.constant 5 : i32
      %mul3A_84 = arith.muli %mul3A_83, %scan3A_60 : i32
      %add3A_85 = arith.constant 1 : i32
      %add3A_86 = arith.addi %mul3A_84, %add3A_85 : i32
      %mul3A_87 = arith.constant 16 : i32
      %mul3A_88 = arith.muli %add3A_86, %mul3A_87 : i32
      %add3A_89 = arith.addi %mul3A_34, %mul3A_88 : i32
      %get3A_90 = arith.constant 0 : i32
      %get3A_91 = arith.index_cast %get3A_90 : i32 to index
      %get3A_92 = arith.index_cast %add3A_89 : i32 to index
      %get3A_93 = tpu.vector_load %arg4[%get3A_91, %get3A_92] {strides = array<i32>} : memref<2x2560xi32, #tpu.memory_space<vmem>>, vector<16xi32>,
      %get3A_94 = arith.constant 1 : i32
      %get3A_95 = arith.index_cast %get3A_94 : i32 to index
      %get3A_96 = arith.index_cast %add3A_89 : i32 to index
      %get3A_97 = tpu.vector_load %arg4[%get3A_95, %get3A_96] {strides = array<i32>} : memref<2x2560xi32, #tpu.memory_space<vmem>>, vector<16xi32>,
      %ge3A_98 = vector.broadcast %mul3A_32 : i32 to vector<16xi32>
      %ge3A_99 = arith.cmpi sge, %get3A_97, %ge3A_98 : vector<16xi32>
      %add3A_100 = arith.constant 64 : i32
      %add3A_101 = arith.addi %mul3A_32, %add3A_100 : i32
      %lt3A_102 = vector.broadcast %add3A_101 : i32 to vector<16xi32>
      %lt3A_103 = arith.cmpi slt, %get3A_97, %lt3A_102 : vector<16xi32>
      %and3A_104 = arith.andi %ge3A_99, %lt3A_103 : vector<16xi1>
      %sub3A_105 = vector.broadcast %mul3A_32 : i32 to vector<16xi32>
      %sub3A_106 = arith.subi %get3A_97, %sub3A_105 : vector<16xi32>
      tpu.vector_store_idx %arg5[%sub3A_106, %get3A_93], %broadcast_in_dim3A_50 masked %and3A_104 {add = true} : memref<64x256xf32, #tpu.memory_space<vmem>>[vector<16xi32>, vector<16xi32>], vector<16xf32>, vector<16xi1>
      %mul3A_107 = arith.constant 5 : i32
      %mul3A_108 = arith.muli %mul3A_107, %scan3A_60 : i32
      %add3A_109 = arith.constant 2 : i32
      %add3A_110 = arith.addi %mul3A_108, %add3A_109 : i32
      %mul3A_111 = arith.constant 16 : i32
      %mul3A_112 = arith.muli %add3A_110, %mul3A_111 : i32
      %add3A_113 = arith.addi %mul3A_34, %mul3A_112 : i32
      %get3A_114 = arith.constant 0 : i32
      %get3A_115 = arith.index_cast %get3A_114 : i32 to index
      %get3A_116 = arith.index_cast %add3A_113 : i32 to index
      %get3A_117 = tpu.vector_load %arg4[%get3A_115, %get3A_116] {strides = array<i32>} : memref<2x2560xi32, #tpu.memory_space<vmem>>, vector<16xi32>,
      %get3A_118 = arith.constant 1 : i32
      %get3A_119 = arith.index_cast %get3A_118 : i32 to index
      %get3A_120 = arith.index_cast %add3A_113 : i32 to index
      %get3A_121 = tpu.vector_load %arg4[%get3A_119, %get3A_120] {strides = array<i32>} : memref<2x2560xi32, #tpu.memory_space<vmem>>, vector<16xi32>,
      %ge3A_122 = vector.broadcast %mul3A_32 : i32 to vector<16xi32>
      %ge3A_123 = arith.cmpi sge, %get3A_121, %ge3A_122 : vector<16xi32>
      %add3A_124 = arith.constant 64 : i32
      %add3A_125 = arith.addi %mul3A_32, %add3A_124 : i32
      %lt3A_126 = vector.broadcast %add3A_125 : i32 to vector<16xi32>
      %lt3A_127 = arith.cmpi slt, %get3A_121, %lt3A_126 : vector<16xi32>
      %and3A_128 = arith.andi %ge3A_123, %lt3A_127 : vector<16xi1>
      %sub3A_129 = vector.broadcast %mul3A_32 : i32 to vector<16xi32>
      %sub3A_130 = arith.subi %get3A_121, %sub3A_129 : vector<16xi32>
      tpu.vector_store_idx %arg5[%sub3A_130, %get3A_117], %broadcast_in_dim3A_50 masked %and3A_128 {add = true} : memref<64x256xf32, #tpu.memory_space<vmem>>[vector<16xi32>, vector<16xi32>], vector<16xf32>, vector<16xi1>
      %mul3A_131 = arith.constant 5 : i32
      %mul3A_132 = arith.muli %mul3A_131, %scan3A_60 : i32
      %add3A_133 = arith.constant 3 : i32
      %add3A_134 = arith.addi %mul3A_132, %add3A_133 : i32
      %mul3A_135 = arith.constant 16 : i32
      %mul3A_136 = arith.muli %add3A_134, %mul3A_135 : i32
      %add3A_137 = arith.addi %mul3A_34, %mul3A_136 : i32
      %get3A_138 = arith.constant 0 : i32
      %get3A_139 = arith.index_cast %get3A_138 : i32 to index
      %get3A_140 = arith.index_cast %add3A_137 : i32 to index
      %get3A_141 = tpu.vector_load %arg4[%get3A_139, %get3A_140] {strides = array<i32>} : memref<2x2560xi32, #tpu.memory_space<vmem>>, vector<16xi32>,
      %get3A_142 = arith.constant 1 : i32
      %get3A_143 = arith.index_cast %get3A_142 : i32 to index
      %get3A_144 = arith.index_cast %add3A_137 : i32 to index
      %get3A_145 = tpu.vector_load %arg4[%get3A_143, %get3A_144] {strides = array<i32>} : memref<2x2560xi32, #tpu.memory_space<vmem>>, vector<16xi32>,
      %ge3A_146 = vector.broadcast %mul3A_32 : i32 to vector<16xi32>
      %ge3A_147 = arith.cmpi sge, %get3A_145, %ge3A_146 : vector<16xi32>
      %add3A_148 = arith.constant 64 : i32
      %add3A_149 = arith.addi %mul3A_32, %add3A_148 : i32
      %lt3A_150 = vector.broadcast %add3A_149 : i32 to vector<16xi32>
      %lt3A_151 = arith.cmpi slt, %get3A_145, %lt3A_150 : vector<16xi32>
      %and3A_152 = arith.andi %ge3A_147, %lt3A_151 : vector<16xi1>
      %sub3A_153 = vector.broadcast %mul3A_32 : i32 to vector<16xi32>
      %sub3A_154 = arith.subi %get3A_145, %sub3A_153 : vector<16xi32>
      tpu.vector_store_idx %arg5[%sub3A_154, %get3A_141], %broadcast_in_dim3A_50 masked %and3A_152 {add = true} : memref<64x256xf32, #tpu.memory_space<vmem>>[vector<16xi32>, vector<16xi32>], vector<16xf32>, vector<16xi1>
      %mul3A_155 = arith.constant 5 : i32
      %mul3A_156 = arith.muli %mul3A_155, %scan3A_60 : i32
      %add3A_157 = arith.constant 4 : i32
      %add3A_158 = arith.addi %mul3A_156, %add3A_157 : i32
      %mul3A_159 = arith.constant 16 : i32
      %mul3A_160 = arith.muli %add3A_158, %mul3A_159 : i32
      %add3A_161 = arith.addi %mul3A_34, %mul3A_160 : i32
      %get3A_162 = arith.constant 0 : i32
      %get3A_163 = arith.index_cast %get3A_162 : i32 to index
      %get3A_164 = arith.index_cast %add3A_161 : i32 to index
      %get3A_165 = tpu.vector_load %arg4[%get3A_163, %get3A_164] {strides = array<i32>} : memref<2x2560xi32, #tpu.memory_space<vmem>>, vector<16xi32>,
      %get3A_166 = arith.constant 1 : i32
      %get3A_167 = arith.index_cast %get3A_166 : i32 to index
      %get3A_168 = arith.index_cast %add3A_161 : i32 to index
      %get3A_169 = tpu.vector_load %arg4[%get3A_167, %get3A_168] {strides = array<i32>} : memref<2x2560xi32, #tpu.memory_space<vmem>>, vector<16xi32>,
      %ge3A_170 = vector.broadcast %mul3A_32 : i32 to vector<16xi32>
      %ge3A_171 = arith.cmpi sge, %get3A_169, %ge3A_170 : vector<16xi32>
      %add3A_172 = arith.constant 64 : i32
      %add3A_173 = arith.addi %mul3A_32, %add3A_172 : i32
      %lt3A_174 = vector.broadcast %add3A_173 : i32 to vector<16xi32>
      %lt3A_175 = arith.cmpi slt, %get3A_169, %lt3A_174 : vector<16xi32>
      %and3A_176 = arith.andi %ge3A_171, %lt3A_175 : vector<16xi1>
      %sub3A_177 = vector.broadcast %mul3A_32 : i32 to vector<16xi32>
      %sub3A_178 = arith.subi %get3A_169, %sub3A_177 : vector<16xi32>
      tpu.vector_store_idx %arg5[%sub3A_178, %get3A_165], %broadcast_in_dim3A_50 masked %and3A_176 {add = true} : memref<64x256xf32, #tpu.memory_space<vmem>>[vector<16xi32>, vector<16xi32>], vector<16xf32>, vector<16xi1>
    }
    %scan3A_56 = arith.constant 25 : i32
    %mul3A_57 = arith.constant 256 : i32
    %mul3A_58 = arith.muli %select_n3A_9, %mul3A_57 : i32
    %add3A_59 = arith.addi %mul3A_58, %mul3A_32 : i32
    "tpu.region"() ({
      %run_scoped3A = tpu.sem_alloc : memref<!tpu.dma_semaphore, #tpu.memory_space<semaphore_mem>>
      %dma_start3A_60 = arith.constant 0 : i32
      %dma_start3A_61 = tpu.memref_slice %arg3[%add3A_59, %dma_start3A_60] : memref<2048x256xf32, #tpu.memory_space<hbm>> -> memref<64x256xf32, #tpu.memory_space<hbm>>
      %dma_start3A_62 = arith.constant 0 : i32
      %dma_start3A_63 = tpu.memref_slice %arg3[%add3A_59, %dma_start3A_62] : memref<2048x256xf32, #tpu.memory_space<hbm>> -> memref<64x256xf32, #tpu.memory_space<hbm>>
      tpu.enqueue_dma source(%arg5 : memref<64x256xf32, #tpu.memory_space<vmem>>) target(%dma_start3A_63 : memref<64x256xf32, #tpu.memory_space<hbm>>) target_semaphore(%run_scoped3A : memref<!tpu.dma_semaphore, #tpu.memory_space<semaphore_mem>>)
      %dma_wait3A_64 = arith.constant 0 : i32
      %dma_wait3A_65 = tpu.memref_slice %arg3[%add3A_59, %dma_wait3A_64] : memref<2048x256xf32, #tpu.memory_space<hbm>> -> memref<64x256xf32, #tpu.memory_space<hbm>>
      %dma_wait3A_66 = arith.constant 0 : i32
      %dma_wait3A_67 = tpu.memref_slice %arg3[%add3A_59, %dma_wait3A_66] : memref<2048x256xf32, #tpu.memory_space<hbm>> -> memref<64x256xf32, #tpu.memory_space<hbm>>
      tpu.wait_dma2 semaphore(%run_scoped3A : memref<!tpu.dma_semaphore, #tpu.memory_space<semaphore_mem>>) src(%arg5 : memref<64x256xf32, #tpu.memory_space<vmem>>) dst(%dma_wait3A_67 : memref<64x256xf32, #tpu.memory_space<hbm>>)
      tpu.yield
    }) : () -> ()
    return
  }
}

module attributes {stable_mosaic.version = 14 : i64} {
  func.func @_tc2_body(%arg0: memref<2048x256xf32, #tpu.memory_space<vmem>>, %arg1: memref<256x256xf32, #tpu.memory_space<vmem>>, %arg2: memref<1x256xf32, #tpu.memory_space<vmem>>, %arg3: memref<256x256xf32, #tpu.memory_space<vmem>>, %arg4: memref<1x256xf32, #tpu.memory_space<vmem>>, %arg5: memref<256x1xf32, #tpu.memory_space<vmem>>, %arg6: memref<1x1xf32, #tpu.memory_space<vmem>>, %arg7: memref<1x1xf32, #tpu.memory_space<vmem>>) attributes {dimension_semantics = [], scalar_prefetch = 0 : i64, scratch_operands = 0 : i64, tpu.core_type = #tpu.core_type<tc>} {
    %get3A = arith.constant 0 : index
    %get3A_0 = arith.constant 0 : index
    %get3A_1 = vector.load %arg0[%get3A, %get3A_0] : memref<2048x256xf32, #tpu.memory_space<vmem>>, vector<2048x256xf32>
    %slice3A = vector.extract_strided_slice %get3A_1 {offsets = [0, 0], sizes = [256, 256], strides = [1, 1]} : vector<2048x256xf32> to vector<256x256xf32>
    %slice3A_2 = vector.extract_strided_slice %get3A_1 {offsets = [256, 0], sizes = [256, 256], strides = [1, 1]} : vector<2048x256xf32> to vector<256x256xf32>
    %add3A = arith.addf %slice3A, %slice3A_2 : vector<256x256xf32>
    %slice3A_3 = vector.extract_strided_slice %get3A_1 {offsets = [512, 0], sizes = [256, 256], strides = [1, 1]} : vector<2048x256xf32> to vector<256x256xf32>
    %add3A_4 = arith.addf %add3A, %slice3A_3 : vector<256x256xf32>
    %slice3A_5 = vector.extract_strided_slice %get3A_1 {offsets = [768, 0], sizes = [256, 256], strides = [1, 1]} : vector<2048x256xf32> to vector<256x256xf32>
    %add3A_6 = arith.addf %add3A_4, %slice3A_5 : vector<256x256xf32>
    %slice3A_7 = vector.extract_strided_slice %get3A_1 {offsets = [1024, 0], sizes = [256, 256], strides = [1, 1]} : vector<2048x256xf32> to vector<256x256xf32>
    %add3A_8 = arith.addf %add3A_6, %slice3A_7 : vector<256x256xf32>
    %slice3A_9 = vector.extract_strided_slice %get3A_1 {offsets = [1280, 0], sizes = [256, 256], strides = [1, 1]} : vector<2048x256xf32> to vector<256x256xf32>
    %add3A_10 = arith.addf %add3A_8, %slice3A_9 : vector<256x256xf32>
    %slice3A_11 = vector.extract_strided_slice %get3A_1 {offsets = [1536, 0], sizes = [256, 256], strides = [1, 1]} : vector<2048x256xf32> to vector<256x256xf32>
    %add3A_12 = arith.addf %add3A_10, %slice3A_11 : vector<256x256xf32>
    %slice3A_13 = vector.extract_strided_slice %get3A_1 {offsets = [1792, 0], sizes = [256, 256], strides = [1, 1]} : vector<2048x256xf32> to vector<256x256xf32>
    %add3A_14 = arith.addf %add3A_12, %slice3A_13 : vector<256x256xf32>
    %iota3A = tpu.iota {dimensions = array<i32: 0>} : vector<256x256xi32>
    %iota3A_15 = tpu.iota {dimensions = array<i32: 1>} : vector<256x256xi32>
    %eq3A = arith.cmpi eq, %iota3A, %iota3A_15 : vector<256x256xi32>
    %lt3A = arith.constant 250 : i32
    %lt3A_16 = vector.broadcast %lt3A : i32 to vector<256x256xi32>
    %lt3A_17 = arith.cmpi slt, %iota3A, %lt3A_16 : vector<256x256xi32>
    %and3A = arith.andi %eq3A, %lt3A_17 : vector<256x256xi1>
    %jit3A = arith.constant 1.000000e+00 : f32
    %jit3A_18 = arith.constant 0.000000e+00 : f32
    %broadcast_in_dim3A = vector.broadcast %jit3A : f32 to vector<256x256xf32>
    %broadcast_in_dim3A_19 = vector.broadcast %jit3A_18 : f32 to vector<256x256xf32>
    %select_n3A = arith.select %and3A, %broadcast_in_dim3A, %broadcast_in_dim3A_19 : vector<256x256xi1>, vector<256x256xf32>
    %add3A_20 = arith.addf %add3A_14, %select_n3A : vector<256x256xf32>
    %reduce_sum3A = arith.constant dense<0.000000e+00> : vector<256xf32>
    %reduce_sum3A_21 = vector.multi_reduction <add>, %add3A_20, %reduce_sum3A [1] : vector<256x256xf32> to vector<256xf32>
    %broadcast_in_dim3A_22 = vector.shape_cast %reduce_sum3A_21 : vector<256xf32> to vector<256x1xf32>
    %gt3A = arith.constant 0.000000e+00 : f32
    %gt3A_23 = vector.broadcast %gt3A : f32 to vector<256x1xf32>
    %gt3A_24 = arith.cmpf ogt, %broadcast_in_dim3A_22, %gt3A_23 : vector<256x1xf32>
    %rsqrt3A = math.rsqrt %broadcast_in_dim3A_22 : vector<256x1xf32>
    %jit3A_25 = arith.constant 0.000000e+00 : f32
    %broadcast_in_dim3A_26 = vector.broadcast %jit3A_25 : f32 to vector<256x1xf32>
    %select_n3A_27 = arith.select %gt3A_24, %rsqrt3A, %broadcast_in_dim3A_26 : vector<256x1xi1>, vector<256x1xf32>
    %get3A_28 = arith.constant 0 : index
    %get3A_29 = arith.constant 0 : index
    %get3A_30 = vector.load %arg1[%get3A_28, %get3A_29] : memref<256x256xf32, #tpu.memory_space<vmem>>, vector<256x256xf32>
    %mul3A = vector.broadcast %select_n3A_27 : vector<256x1xf32> to vector<256x256xf32>
    %mul3A_31 = arith.mulf %mul3A, %get3A_30 : vector<256x256xf32>
    %dot_general3A = arith.constant dense<0.000000e+00> : vector<256x256xf32>
    %dot_general3A_32 = tpu.matmul %add3A_20, %mul3A_31, %dot_general3A {dimension_numbers = #tpu.dot_dimension_numbers<[1], [0], [0], [1], [0, 0, 1, 1], [], []>, transpose_lhs_hint = false} : vector<256x256xf32>, vector<256x256xf32>, vector<256x256xf32> -> vector<256x256xf32>
    %mul3A_33 = vector.broadcast %select_n3A_27 : vector<256x1xf32> to vector<256x256xf32>
    %mul3A_34 = arith.mulf %mul3A_33, %dot_general3A_32 : vector<256x256xf32>
    %get3A_35 = arith.constant 0 : index
    %get3A_36 = arith.constant 0 : index
    %get3A_37 = vector.load %arg2[%get3A_35, %get3A_36] : memref<1x256xf32, #tpu.memory_space<vmem>>, vector<1x256xf32>
    %add3A_38 = vector.broadcast %get3A_37 : vector<1x256xf32> to vector<256x256xf32>
    %add3A_39 = arith.addf %mul3A_34, %add3A_38 : vector<256x256xf32>
    %max3A = arith.constant 0.000000e+00 : f32
    %max3A_40 = vector.broadcast %max3A : f32 to vector<256x256xf32>
    %max3A_41 = arith.maximumf %add3A_39, %max3A_40 : vector<256x256xf32>
    %get3A_42 = arith.constant 0 : index
    %get3A_43 = arith.constant 0 : index
    %get3A_44 = vector.load %arg3[%get3A_42, %get3A_43] : memref<256x256xf32, #tpu.memory_space<vmem>>, vector<256x256xf32>
    %dot_general3A_45 = arith.constant dense<0.000000e+00> : vector<256x256xf32>
    %dot_general3A_46 = tpu.matmul %max3A_41, %get3A_44, %dot_general3A_45 {dimension_numbers = #tpu.dot_dimension_numbers<[1], [0], [0], [1], [0, 0, 1, 1], [], []>, transpose_lhs_hint = false} : vector<256x256xf32>, vector<256x256xf32>, vector<256x256xf32> -> vector<256x256xf32>
    %mul3A_47 = vector.broadcast %select_n3A_27 : vector<256x1xf32> to vector<256x256xf32>
    %mul3A_48 = arith.mulf %mul3A_47, %dot_general3A_46 : vector<256x256xf32>
    %dot_general3A_49 = arith.constant dense<0.000000e+00> : vector<256x256xf32>
    %dot_general3A_50 = tpu.matmul %add3A_20, %mul3A_48, %dot_general3A_49 {dimension_numbers = #tpu.dot_dimension_numbers<[1], [0], [0], [1], [0, 0, 1, 1], [], []>, transpose_lhs_hint = false} : vector<256x256xf32>, vector<256x256xf32>, vector<256x256xf32> -> vector<256x256xf32>
    %mul3A_51 = vector.broadcast %select_n3A_27 : vector<256x1xf32> to vector<256x256xf32>
    %mul3A_52 = arith.mulf %mul3A_51, %dot_general3A_50 : vector<256x256xf32>
    %get3A_53 = arith.constant 0 : index
    %get3A_54 = arith.constant 0 : index
    %get3A_55 = vector.load %arg4[%get3A_53, %get3A_54] : memref<1x256xf32, #tpu.memory_space<vmem>>, vector<1x256xf32>
    %add3A_56 = vector.broadcast %get3A_55 : vector<1x256xf32> to vector<256x256xf32>
    %add3A_57 = arith.addf %mul3A_52, %add3A_56 : vector<256x256xf32>
    %max3A_58 = arith.constant 0.000000e+00 : f32
    %max3A_59 = vector.broadcast %max3A_58 : f32 to vector<256x256xf32>
    %max3A_60 = arith.maximumf %add3A_57, %max3A_59 : vector<256x256xf32>
    %iota3A_61 = tpu.iota {dimensions = array<i32: 0>} : vector<256x1xi32>
    %lt3A_62 = arith.constant 250 : i32
    %lt3A_63 = vector.broadcast %lt3A_62 : i32 to vector<256x1xi32>
    %lt3A_64 = arith.cmpi slt, %iota3A_61, %lt3A_63 : vector<256x1xi32>
    %jit3A_65 = arith.constant 1.000000e+00 : f32
    %jit3A_66 = arith.constant 0.000000e+00 : f32
    %broadcast_in_dim3A_67 = vector.broadcast %jit3A_65 : f32 to vector<256x1xf32>
    %broadcast_in_dim3A_68 = vector.broadcast %jit3A_66 : f32 to vector<256x1xf32>
    %select_n3A_69 = arith.select %lt3A_64, %broadcast_in_dim3A_67, %broadcast_in_dim3A_68 : vector<256x1xi1>, vector<256x1xf32>
    %mul3A_70 = vector.broadcast %select_n3A_69 : vector<256x1xf32> to vector<256x256xf32>
    %mul3A_71 = arith.mulf %max3A_60, %mul3A_70 : vector<256x256xf32>
    %reduce_sum3A_72 = arith.constant dense<0.000000e+00> : vector<256xf32>
    %reduce_sum3A_73 = vector.multi_reduction <add>, %mul3A_71, %reduce_sum3A_72 [0] : vector<256x256xf32> to vector<256xf32>
    %broadcast_in_dim3A_74 = vector.shape_cast %reduce_sum3A_73 : vector<256xf32> to vector<1x256xf32>
    %mul3A_75 = arith.constant 4.000000e-03 : f32
    %mul3A_76 = vector.broadcast %mul3A_75 : f32 to vector<1x256xf32>
    %mul3A_77 = arith.mulf %broadcast_in_dim3A_74, %mul3A_76 : vector<1x256xf32>
    %get3A_78 = arith.constant 0 : index
    %get3A_79 = arith.constant 0 : index
    %get3A_80 = vector.load %arg5[%get3A_78, %get3A_79] : memref<256x1xf32, #tpu.memory_space<vmem>>, vector<256x1xf32>
    %dot_general3A_81 = arith.constant dense<0.000000e+00> : vector<1x1xf32>
    %dot_general3A_82 = tpu.matmul %mul3A_77, %get3A_80, %dot_general3A_81 {dimension_numbers = #tpu.dot_dimension_numbers<[1], [0], [0], [1], [0, 0, 1, 1], [], []>, transpose_lhs_hint = false} : vector<1x256xf32>, vector<256x1xf32>, vector<1x1xf32> -> vector<1x1xf32>
    %get3A_83 = arith.constant 0 : index
    %get3A_84 = arith.constant 0 : index
    %get3A_85 = vector.load %arg6[%get3A_83, %get3A_84] : memref<1x1xf32, #tpu.memory_space<vmem>>, vector<1x1xf32>
    %add3A_86 = arith.addf %dot_general3A_82, %get3A_85 : vector<1x1xf32>
    %logistic3A = arith.negf %add3A_86 : vector<1x1xf32>
    %logistic3A_87 = math.exp %logistic3A : vector<1x1xf32>
    %logistic3A_88 = arith.constant 1.000000e+00 : f32
    %logistic3A_89 = vector.broadcast %logistic3A_88 : f32 to vector<1x1xf32>
    %logistic3A_90 = arith.addf %logistic3A_89, %logistic3A_87 : vector<1x1xf32>
    %logistic3A_91 = arith.divf %logistic3A_89, %logistic3A_90 : vector<1x1xf32>
    %swap3A = arith.constant 0 : index
    %swap3A_92 = arith.constant 0 : index
    %swap3A_93 = vector.load %arg7[%swap3A, %swap3A_92] : memref<1x1xf32, #tpu.memory_space<vmem>>, vector<1x1xf32>
    tpu.vector_store %arg7[%swap3A, %swap3A_92], %logistic3A_91 {strides = array<i32>} : memref<1x1xf32, #tpu.memory_space<vmem>>, vector<1x1xf32>,
    return
  }
}

module attributes {stable_mosaic.version = 14 : i64} {
  func.func @_tc1_body(%arg0: memref<2x500xi32, #tpu.memory_space<vmem>>, %arg1: memref<512x256xf32, #tpu.memory_space<vmem>>, %arg2: memref<512x256xf32, #tpu.memory_space<vmem>>, %arg3: memref<256x256xf32, #tpu.memory_space<vmem>>) attributes {dimension_semantics = [], scalar_prefetch = 0 : i64, scratch_operands = 0 : i64, tpu.core_type = #tpu.core_type<tc>} {
    %get3A = arith.constant 0 : index
    %get3A_0 = arith.constant 0 : index
    %get3A_1 = vector.load %arg0[%get3A, %get3A_0] : memref<2x500xi32, #tpu.memory_space<vmem>>, vector<2x500xi32>
    %slice3A = vector.extract_strided_slice %get3A_1 {offsets = [0, 0], sizes = [1, 500], strides = [1, 1]} : vector<2x500xi32> to vector<1x500xi32>
    %mul3A = arith.constant 2 : i32
    %mul3A_2 = vector.broadcast %mul3A : i32 to vector<1x500xi32>
    %mul3A_3 = arith.muli %slice3A, %mul3A_2 : vector<1x500xi32>
    %slice3A_4 = vector.extract_strided_slice %get3A_1 {offsets = [1, 0], sizes = [1, 500], strides = [1, 1]} : vector<2x500xi32> to vector<1x500xi32>
    %add3A = arith.addi %mul3A_3, %slice3A_4 : vector<1x500xi32>
    %broadcast_in_dim3A = arith.constant -1 : i32
    %broadcast_in_dim3A_5 = vector.broadcast %broadcast_in_dim3A : i32 to vector<1x12xi32>
    %concatenate3A = tpu.concatenate %add3A, %broadcast_in_dim3A_5 in 1 : vector<1x500xi32>, vector<1x12xi32> -> vector<1x512xi32>
    %broadcast_in_dim3A_6 = vector.shape_cast %concatenate3A : vector<1x512xi32> to vector<1x512xi32>
    %broadcast_in_dim3A_7 = vector.broadcast %broadcast_in_dim3A_6 : vector<1x512xi32> to vector<256x512xi32>
    %iota3A = tpu.iota {dimensions = array<i32: 0>} : vector<256x512xi32>
    %iota3A_8 = tpu.iota {dimensions = array<i32: 1>} : vector<256x512xi32>
    %get3A_9 = arith.constant 0 : index
    %get3A_10 = arith.constant 0 : index
    %get3A_11 = vector.load %arg1[%get3A_9, %get3A_10] : memref<512x256xf32, #tpu.memory_space<vmem>>, vector<512x256xf32>
    %mul3A_12 = arith.constant 2 : i32
    %mul3A_13 = vector.broadcast %mul3A_12 : i32 to vector<256x512xi32>
    %mul3A_14 = arith.muli %mul3A_13, %iota3A : vector<256x512xi32>
    %add3A_15 = arith.constant 0 : i32
    %add3A_16 = vector.broadcast %add3A_15 : i32 to vector<256x512xi32>
    %add3A_17 = arith.addi %mul3A_14, %add3A_16 : vector<256x512xi32>
    %eq3A = arith.cmpi eq, %broadcast_in_dim3A_7, %add3A_17 : vector<256x512xi32>
    %jit3A = arith.constant -1 : i32
    %broadcast_in_dim3A_18 = vector.broadcast %jit3A : i32 to vector<256x512xi32>
    %select_n3A = arith.select %eq3A, %iota3A_8, %broadcast_in_dim3A_18 : vector<256x512xi1>, vector<256x512xi32>
    %reduce_max3A = arith.constant dense<-2147483648> : vector<256xi32>
    %reduce_max3A_19 = vector.multi_reduction <maxsi>, %select_n3A, %reduce_max3A [1] : vector<256x512xi32> to vector<256xi32>
    %broadcast_in_dim3A_20 = vector.shape_cast %reduce_max3A_19 : vector<256xi32> to vector<256x1xi32>
    %eq3A_21 = vector.broadcast %broadcast_in_dim3A_20 : vector<256x1xi32> to vector<256x512xi32>
    %eq3A_22 = arith.cmpi eq, %iota3A_8, %eq3A_21 : vector<256x512xi32>
    %and3A = arith.andi %eq3A, %eq3A_22 : vector<256x512xi1>
    %jit3A_23 = arith.constant 1.000000e+00 : f32
    %jit3A_24 = arith.constant 0.000000e+00 : f32
    %broadcast_in_dim3A_25 = vector.broadcast %jit3A_23 : f32 to vector<256x512xf32>
    %broadcast_in_dim3A_26 = vector.broadcast %jit3A_24 : f32 to vector<256x512xf32>
    %select_n3A_27 = arith.select %and3A, %broadcast_in_dim3A_25, %broadcast_in_dim3A_26 : vector<256x512xi1>, vector<256x512xf32>
    %dot_general3A = arith.constant dense<0.000000e+00> : vector<256x256xf32>
    %dot_general3A_28 = tpu.matmul %select_n3A_27, %get3A_11, %dot_general3A {dimension_numbers = #tpu.dot_dimension_numbers<[1], [0], [0], [1], [0, 0, 1, 1], [], []>, transpose_lhs_hint = false} : vector<256x512xf32>, vector<512x256xf32>, vector<256x256xf32> -> vector<256x256xf32>
    %mul3A_29 = arith.constant 2 : i32
    %mul3A_30 = vector.broadcast %mul3A_29 : i32 to vector<256x512xi32>
    %mul3A_31 = arith.muli %mul3A_30, %iota3A : vector<256x512xi32>
    %add3A_32 = arith.constant 1 : i32
    %add3A_33 = vector.broadcast %add3A_32 : i32 to vector<256x512xi32>
    %add3A_34 = arith.addi %mul3A_31, %add3A_33 : vector<256x512xi32>
    %eq3A_35 = arith.cmpi eq, %broadcast_in_dim3A_7, %add3A_34 : vector<256x512xi32>
    %jit3A_36 = arith.constant -1 : i32
    %broadcast_in_dim3A_37 = vector.broadcast %jit3A_36 : i32 to vector<256x512xi32>
    %select_n3A_38 = arith.select %eq3A_35, %iota3A_8, %broadcast_in_dim3A_37 : vector<256x512xi1>, vector<256x512xi32>
    %reduce_max3A_39 = arith.constant dense<-2147483648> : vector<256xi32>
    %reduce_max3A_40 = vector.multi_reduction <maxsi>, %select_n3A_38, %reduce_max3A_39 [1] : vector<256x512xi32> to vector<256xi32>
    %broadcast_in_dim3A_41 = vector.shape_cast %reduce_max3A_40 : vector<256xi32> to vector<256x1xi32>
    %eq3A_42 = vector.broadcast %broadcast_in_dim3A_41 : vector<256x1xi32> to vector<256x512xi32>
    %eq3A_43 = arith.cmpi eq, %iota3A_8, %eq3A_42 : vector<256x512xi32>
    %and3A_44 = arith.andi %eq3A_35, %eq3A_43 : vector<256x512xi1>
    %jit3A_45 = arith.constant 1.000000e+00 : f32
    %jit3A_46 = arith.constant 0.000000e+00 : f32
    %broadcast_in_dim3A_47 = vector.broadcast %jit3A_45 : f32 to vector<256x512xf32>
    %broadcast_in_dim3A_48 = vector.broadcast %jit3A_46 : f32 to vector<256x512xf32>
    %select_n3A_49 = arith.select %and3A_44, %broadcast_in_dim3A_47, %broadcast_in_dim3A_48 : vector<256x512xi1>, vector<256x512xf32>
    %dot_general3A_50 = arith.constant dense<0.000000e+00> : vector<256x256xf32>
    %dot_general3A_51 = tpu.matmul %select_n3A_49, %get3A_11, %dot_general3A_50 {dimension_numbers = #tpu.dot_dimension_numbers<[1], [0], [0], [1], [0, 0, 1, 1], [], []>, transpose_lhs_hint = false} : vector<256x512xf32>, vector<512x256xf32>, vector<256x256xf32> -> vector<256x256xf32>
    %get3A_52 = arith.constant 0 : index
    %get3A_53 = arith.constant 0 : index
    %get3A_54 = vector.load %arg2[%get3A_52, %get3A_53] : memref<512x256xf32, #tpu.memory_space<vmem>>, vector<256x256xf32>
    %dot_general3A_55 = arith.constant dense<0.000000e+00> : vector<256x256xf32>
    %dot_general3A_56 = tpu.matmul %dot_general3A_28, %get3A_54, %dot_general3A_55 {dimension_numbers = #tpu.dot_dimension_numbers<[1], [0], [0], [1], [0, 0, 1, 1], [], []>, transpose_lhs_hint = false} : vector<256x256xf32>, vector<256x256xf32>, vector<256x256xf32> -> vector<256x256xf32>
    %get3A_57 = arith.constant 256 : index
    %get3A_58 = arith.constant 0 : index
    %get3A_59 = vector.load %arg2[%get3A_57, %get3A_58] : memref<512x256xf32, #tpu.memory_space<vmem>>, vector<256x256xf32>
    %dot_general3A_60 = arith.constant dense<0.000000e+00> : vector<256x256xf32>
    %dot_general3A_61 = tpu.matmul %dot_general3A_51, %get3A_59, %dot_general3A_60 {dimension_numbers = #tpu.dot_dimension_numbers<[1], [0], [0], [1], [0, 0, 1, 1], [], []>, transpose_lhs_hint = false} : vector<256x256xf32>, vector<256x256xf32>, vector<256x256xf32> -> vector<256x256xf32>
    %add3A_62 = arith.addf %dot_general3A_56, %dot_general3A_61 : vector<256x256xf32>
    %swap3A = arith.constant 0 : index
    %swap3A_63 = arith.constant 0 : index
    %swap3A_64 = vector.load %arg3[%swap3A, %swap3A_63] : memref<256x256xf32, #tpu.memory_space<vmem>>, vector<256x256xf32>
    tpu.vector_store %arg3[%swap3A, %swap3A_63], %add3A_62 {strides = array<i32>} : memref<256x256xf32, #tpu.memory_space<vmem>>, vector<256x256xf32>,
    return
  }
}

</mosaic_0001>

<sc_bundles>
// kernel: kernel.5.cloned.1.call-start
scs
__scs_entry_jumppad:
0x0: {  	(pc) =	sbr.rel $0x88, $3  }
0x1: {  	(tag) =	ssettag $0x0;
	lr =	simm.s32 $0x1  }
0x2: {  	[smem:$0x3F99] =	sst lr;
	_ =	strace $0xD0000000  }
0x3: {  	_ = 	snop  }
0x4: {  	_ = 	snop  }
0x5: {  	_ = 	snop  }
0x6: {  	_ = 	snop  }
0x7: {  	_ = 	snop  }
__scs_overlays_trampoline_lowered:
0x8: {  	[smem:$0x3FA8] =	sst s0  }
0x9: {  	[smem:$0x3FA9] =	sst s1  }
0xa: {  	[smem:$0x3FAA] =	sst s2  }
0xb: {  	[smem:$0x3FAB] =	sst s3  }
0xc: {  	[smem:$0x3FAC] =	sst s4  }
0xd: {  	[smem:$0x3FAD] =	sst s5  }
0xe: {  	[smem:$0x3FAE] =	sst s6  }
0xf: {  	[smem:$0x3FAF] =	sst s7  }
0x10: {  	[smem:$0x3FB0] =	sst s8  }
0x11: {  	[smem:$0x3FB1] =	sst s9;
	s0 =	simm.s32 @!p0 $0x0  }
0x12: {  	s1 =	sld [smem:$0x3F97];
	s0 =	simm.s32 @p0 $0x1  }
0x13: {  	[smem:$0x3FB2] =	sst s0;
	s0 =	simm.s32 @!p1 $0x0  }
0x14: {  	s2 =	sld [smem:$0x3F96];
	s0 =	simm.s32 @p1 $0x1  }
0x15: {  	[smem:$0x3FB3] =	sst s0;
	s0 =	simm.s32 @!p2 $0x0  }
0x16: {  	s3 =	sld [smem:$0x3FDB];
	s0 =	simm.s32 @p2 $0x1  }
0x17: {  	s4 =	simm.s32 $0x1BF5;
	[smem:$0x3FB5] =	sst s0  }
0x18: {  	s0 =	sld [smem:$0x3F98];
	_ =	swait.ge [sflag:s4], $0x0  }
0x19: {  	s7 =	sld [smem:$0x3F99]  }
0x1a: {  	s8 =	sadd.s32 $0xFFFFE003, lr  }
0x1b: {  	s9 =	sadd.s32 $0xFFFFFEF7, lr;
	s5 =	simm.s32 $0xFFFFFFFF;
	p2 =	slt.u32 s8, $0xFFFFF086  }
0x1c: {  	p1 =	slt.u32 s9, $0xF7A;
	s5 =	simm.s32 @!p2 $0x0  }
0x1d: {  	s5 =	simm.s32 @p1 $0x1;
	p0 =	seq.s32 s7, s2  }
0x1e: {  	s7 =	smul.u32 @!p0 $0xF7A, s2;
	p2 =	seq.s32 @!p0 s5, $0x0  }
0x1f: {  	s9 =	smul.u32 $0xF7A, s1;
	s8 =	simm.s32 @!p0 $0x1BF5;
	p2 =	por !p2, p0  }
0x20: {  	[sflag:s8] =	ssyncset.s32 @!p0 $0xFFFFF086;
	s6 =	sadd.s32 @!p0 s3, s7;
	s7 =	simm.s32 @!p0 $0x108  }
0x21: {  	s3 =	sadd.s32 s3, s9;
	s6 =	sadd.s32 @!p0 $0x88, s6;
	s7 =	simm.s32 @p2 $0x1082  }
0x22: {  	[simem:s7], [sflag:s8] =	dma.local @!p0 [hbm:s6], $0xF7A  }
0x23: {  	s9 =	sor.u32 $0xD0000000, s2;
	s6 =	simm.s32 $0x108;
	_ =	swait.ge @!p0 [sflag:s8], $0x0  }
0x24: {  	s3 =	sadd.s32 $0x88, s3;
	s6 =	simm.s32 @!p1 $0x1082;
	[sflag:s4] =	ssyncset.s32 $0xFFFFF086  }
0x25: {  	[simem:s6], [sflag:s4] =	dma.local [hbm:s3], $0xF7A  }
0x26: {  	[smem:$0x3F99] =	sst s1;
	(tag) =	ssettag s2;
	_ =	strace s9  }
0x27: {  	s1 =	sld [smem:$0x3FA9]  }
0x28: {  	s2 =	sld [smem:$0x3FAA]  }
0x29: {  	s4 =	sld [smem:$0x3FAC]  }
0x2a: {  	p0 =	seq.s32 s5, $0x0;
	s5 =	sld [smem:$0x3FAD]  }
0x2b: {  	s6 =	sld [smem:$0x3FAE]  }
0x2c: {  	s7 =	sld [smem:$0x3FAF]  }
0x2d: {  	s3 =	simm.s32 $0x108;
	s8 =	sld [smem:$0x3FB0]  }
0x2e: {  	s3 =	simm.s32 @!p0 $0x1082;
	s9 =	sld [smem:$0x3FB1]  }
0x2f: {  	lr =	sadd.s32 s0, s3;
	s0 =	sld [smem:$0x3FA8]  }
0x30: {  	s3 =	sld [smem:$0x3FAB]  }
0x31: {  	[smem:$0x3FB4] =	sst s10  }
0x32: {  	s10 =	sld [smem:$0x3FB2];
	_ =	sdelay $0x3  }
0x33: {  	p0 =	seq.s32 s10, $0x1;
	s10 =	sld [smem:$0x3FB4];
	_ =	sdelay $0x3  }
0x34: {  	[smem:$0x3FB4] =	sst s10  }
0x35: {  	s10 =	sld [smem:$0x3FB3];
	_ =	sdelay $0x3  }
0x36: {  	p1 =	seq.s32 s10, $0x1;
	s10 =	sld [smem:$0x3FB4];
	_ =	sdelay $0x3  }
0x37: {  	[smem:$0x3FB4] =	sst s10  }
0x38: {  	s10 =	sld [smem:$0x3FB5]  }
0x39: {  	_ = 	snop;
	(pc) =	sbr.ind lr, $3  }
0x3a: {  	_ = 	snop  }
0x3b: {  	_ = 	snop  }
0x3c: {  	p2 =	seq.s32 s10, $0x1;
	s10 =	sld [smem:$0x3FB4]  }
0x3d: {  	_ =	shalt  }
0x3e: {  	_ =	shalt  }
0x3f: {  	_ =	shalt  }
0x40: {  	_ =	shalt  }
0x41: {  	_ =	shalt  }
0x42: {  	_ =	shalt  }
0x43: {  	_ =	shalt  }
0x44: {  	_ =	shalt  }
0x45: {  	_ =	shalt  }
0x46: {  	_ =	shalt  }
0x47: {  	_ =	shalt  }
0x48: {  	_ =	shalt  }
0x49: {  	_ =	shalt  }
0x4a: {  	_ =	shalt  }
0x4b: {  	_ =	shalt  }
0x4c: {  	_ =	shalt  }
0x4d: {  	_ =	shalt  }
0x4e: {  	_ =	shalt  }
0x4f: {  	_ =	shalt  }
0x50: {  	_ =	shalt  }
0x51: {  	_ =	shalt  }
0x52: {  	_ =	shalt  }
0x53: {  	_ =	shalt  }
0x54: {  	_ =	shalt  }
0x55: {  	_ =	shalt  }
0x56: {  	_ =	shalt  }
0x57: {  	_ =	shalt  }
0x58: {  	_ =	shalt  }
0x59: {  	_ =	shalt  }
0x5a: {  	_ =	shalt  }
0x5b: {  	_ =	shalt  }
0x5c: {  	_ =	shalt  }
0x5d: {  	_ =	shalt  }
0x5e: {  	_ =	shalt  }
0x5f: {  	_ =	shalt  }
0x60: {  	_ =	shalt  }
0x61: {  	_ =	shalt  }
0x62: {  	_ =	shalt  }
0x63: {  	_ =	shalt  }
0x64: {  	_ =	shalt  }
0x65: {  	_ =	shalt  }
0x66: {  	_ =	shalt  }
0x67: {  	_ =	shalt  }
0x68: {  	_ =	shalt  }
0x69: {  	_ =	shalt  }
0x6a: {  	_ =	shalt  }
0x6b: {  	_ =	shalt  }
0x6c: {  	_ =	shalt  }
0x6d: {  	_ =	shalt  }
0x6e: {  	_ =	shalt  }
0x6f: {  	_ =	shalt  }
0x70: {  	_ =	shalt  }
0x71: {  	_ =	shalt  }
0x72: {  	_ =	shalt  }
0x73: {  	_ =	shalt  }
0x74: {  	_ =	shalt  }
0x75: {  	_ =	shalt  }
0x76: {  	_ =	shalt  }
0x77: {  	_ =	shalt  }
0x78: {  	_ =	shalt  }
0x79: {  	_ =	shalt  }
0x7a: {  	_ =	shalt  }
0x7b: {  	_ =	shalt  }
0x7c: {  	_ =	shalt  }
0x7d: {  	_ =	shalt  }
0x7e: {  	_ =	shalt  }
0x7f: {  	_ =	shalt  }
0x80: {  	_ =	shalt  }
0x81: {  	_ =	shalt  }
0x82: {  	_ =	shalt  }
0x83: {  	_ =	shalt  }
0x84: {  	_ =	shalt  }
0x85: {  	_ =	shalt  }
0x86: {  	_ =	shalt  }
0x87: {  	_ =	shalt  }
.Lfunc_end0:
.L_simem_size_0:
called_computation_lowered:
.L_overlay_start_0:
0x88: {  	s2 =	sld [smem:$0x3FD9]  }
0x89: {  	s3 =	sld [smem:$0x3FFE];
	_ =	sdelay $0x1  }
0x8a: {  	s1 =	srdreg.scid  }
0x8b: {  	s0 =	sand.u32 $0x1, s1  }
0x8c: {  	s17 =	sshll.u32 s0, $0xA;
	s2 =	sadd.s32 s3, s2  }
0x8d: {  	s2 =	sadd.s32 s2, s17  }
0x8e: {  	[smem:$0x3FC0] =	sst s2  }
0x8f: {  	_ = 	snop  }
0x90: {  	s2 =	sld [smem:$0x3FC8];
	(tm) =	ssettm $0x1  }
0x91: {  	s18 =	sld [smem:$0x3FFB];
	_ =	sdelay $0x3  }
0x92: {  	_ =	strace s18  }
0x93: {  	s3 =	sld [smem:$0x3FFC];
	_ =	sdelay $0x3  }
0x94: {  	_ =	strace s3  }
0x95: {  	s3 =	sld [smem:$0x3FFD];
	_ =	sdelay $0x3  }
0x96: {  	_ =	strace s3  }
0x97: {  	_ =	strace $0x8FFFFFFF  }
0x98: {  	s19 =	sld [smem:$0x3FDB];
	_ =	sdelay $0x1  }
0x99: {  	s4 =	simm.s32 $_scs_section_size  }
0x9a: {  	s5 =	simm.s32 $_size__tile_overlayer_lowered;
	s6 =	simm.s32 $_tile_overlayer_lowered  }
0x9b: {  	s22 =	simm.s32 $0x1BFF;
	s21 =	sshll.u32 s6, $0x1;
	s3 =	sadd.s32 s4, s19  }
0x9c: {  	s7 =	simm.s32 $0x0;
	s20 =	sshll.u32 s5, $0x1;
	s5 =	sadd.s32 s21, s3  }
0x9d: {  	[timem:s7], [sflag:s22] =	dma.local [hbm:s5], s20  }
0x9e: {  	_ =	swait.ge [sflag:s22], s20  }
0x9f: {  	s4 =	ssub.s32 $0x0, s20;
	[sflag:s22] =	ssyncset.done $0x0  }
0xa0: {  	[sflag:s22] =	ssyncadd.s32 s4;
	_ =	sdelay $0x1  }
0xa1: {  	s23 =	simm.s32 $0x1B8B  }
0xa2: {  	_ =	swait.ge [sflag:s23], $0x1  }
0xa3: {  	[sflag:s23] =	ssyncset.done $0x0  }
0xa4: {  	s25 =	simm.s32 $0x1B8E;
	s24 =	sld [smem:$0x3FFE];
	[sflag:s23] =	ssyncadd.s32 $0xFFFFFFFF  }
0xa5: {  	s26 =	simm.s32 $execute0_lowered;
	[smem:$0x3FD2] =	sst s25  }
0xa6: {  	s5 =	sshll.u32 s26, $0x1;
	_ =	strace $0x80000046;
	[dreg:$0x1] =	wrdreg $0xFFFFFFFF  }
0xa7: {  	s28 =	simm.s32 $_size_execute0_lowered;
	s3 =	sadd.s32 s3, s5;
	[dreg:$0x0] =	wrdreg $0x0  }
0xa8: {  	s5 =	sshll.u32 s28, $0x1;
	[dreg:$0x2] =	wrdreg s3  }
0xa9: {  	[dreg:$0x3] =	wrdreg s5  }
0xaa: {  	[dreg:$0x4] =	wrdreg $0xC0  }
0xab: {  	_ =	task [dreg:s7], $0x5FFFF  }
0xac: {  	[dreg:$0x1] =	wrdreg $0xFFFFFFFF  }
0xad: {  	[dreg:$0x0] =	wrdreg $0x60  }
0xae: {  	[dreg:$0x2] =	wrdreg s2  }
0xaf: {  	[dreg:$0x3] =	wrdreg s24  }
0xb0: {  	[dreg:$0x4] =	wrdreg $0x9  }
0xb1: {  	_ =	task.clear_ibuf [dreg:s7], $0x5FFFF;
	_ =	strace $0x90000046  }
0xb2: {  	s29 =	simm.s32 $0x9;
	_ =	strace $0x80000048  }
0xb3: {  	_ =	swait.ge [sflag:s29], $0x1  }
0xb4: {  	[sflag:s29] =	ssyncadd.s32 $0xFFFFFFFF  }
0xb5: {  	_ =	strace $0x90000048  }
0xb6: {  	_ =	sfence  }
0xb7: {  	s30 =	sld [smem:$0x0];
	_ =	sdelay $0x2  }
0xb8: {  	s31 =	sshll.u32 s1, $0xD;
	s1 =	sshrl.u32 s1, $0x2  }
0xb9: {  	s3 =	sand.u32 $0x4000, s31;
	s1 =	sadd.s32 s1, s30  }
0xba: {  	s0 =	sor.u32 s3, s0;
	s1 =	sshll.u32 s1, $0x11  }
0xbb: {  	s0 =	sor.u32 s1, s0  }
0xbc: {  	s0 =	sadd.s32 $0x8F2B, s0  }
0xbd: {  	[sflag:s0] =	ssyncadd.remote.s32 $0x1  }
0xbe: {  	_ =	sfence.sel $0xFFFF  }
0xbf: {  	[dreg:$0x0] =	wrdreg $0xFFFFFFFF;
	(pc) =	sbr.abs _section_cstart, $3  }
0xc0: {  	[dreg:$0x1] =	wrdreg $0xFFFFFFFF  }
0xc1: {  	_ =	task.clear_ibuf [dreg:s7], $0x2FFFF;
	_ =	strace $0x9FFFFFFF  }
0xc2: {  	(tm) =	ssettm $0x7FFFFFFF  }
0xc3: {  	_ =	shalt  }
tec
execute0_lowered:
.L_overlay_start_1:
0x0: {  	(tag) =	ssettag $0x1  }
0x1: {  	s0 =	srdreg.scid;
	s4 =	rddreg [dreg:$0x0]  }
0x2: {  	s5 =	simm.s32 $0x1;
	s6 =	rddreg [dreg:$0x1];
	s3 =	sand.u32 $0x1, s0  }
0x3: {  	s2 =	simm.s32 $0x0;
	s0 =	stileid.u32;
	s1 =	sshll.u32 s3, $0x4  }
0x4: {  	[smem:$0x7FF] =	sst s2;
	s8 =	sand.u32 $0x7, s0;
	s1 =	sor.u32 s0, s1  }
0x5: {  	s28 =	ssub.s32 $0x2, s3;
	p0 =	sne.s32 s8, $0x0;
	p1 =	seq.s32 s1, $0x0  }
0x6: {  	s3 =	simm.s32 $0x1;
	s26 =	sshll.u32 s8, $0x10;
	p0 =	por !p0, !p1  }
0x7: {  	s10 =	smul.u32 $0x50, s8;
	s29 =	sshrl.u32 s28, $0x1;
	p0 =	por !p0, !p0  }
0x8: {  	s11 =	smul.u32 $0x1E0, s8;
	s7 =	sshrl.u32 s1, $0x3;
	s5 =	simm.s32 @!p0 $0x0  }
0x9: {  	s8 =	smul.u32 $0xA0, s8;
	s1 =	rddreg [dreg:$0x2];
	s5 =	ssub.s32 s7, s5  }
0xa: {  	_ =	strace $0x80000047;
	s4 =	sadd.s32 s4, s11;
	s9 =	sshll.u32 s5, $0xE  }
0xb: {  	s11 =	simm.s32 $0x0;
	s30 =	sshll.u32 s5, $0x6;
	s7 =	sadd.s32 s26, s9  }
0xc: {  	s5 =	sadd.s32 $0x40, s10;
	s10 =	simm.s32 $0x2;
	s7 =	sshrl.u32 s7, $0x3  }
0xd: {  	v2 =	vimm.f32 $0.0e+00;
	s31 =	sadd.s32 $0x40, s30;
	s6 =	sadd.s32 s7, s6;
	s7 =	ssub.s32 s28, s29  }
0xe: {  	v3 =	vimm.f32 $1.000000000e+00;
	v0 =	vmov s30;
	s9 =	simm.s32 $0x1400;
	v1 =	vmov s31;
	s6 =	sadd.s32 $0x1400, s6;
	s7 =	smax.u32 s7, $0x1  }
.LBB2_1:
0xf: {  	[tilespmem:s2], [sflag:$0x1] =	stream.linear.gather [hbm4b:s4+s2], $0x1400, $0x38;
	[tilespmem:$0x5400] =	vst v63  }
0x10: {  	s12 =	sand.u32 $0x3800, s2;
	s13 =	sand.u32 $0x380, s2  }
0x11: {  	s12 =	sor.u32 s13, s12  }
0x12: {  	[tilespmem:s12+$0x1870] =	vst v2  }
0x13: {  	[tilespmem:s12+$0x1400] =	vst v2  }
0x14: {  	[tilespmem:s12+$0x1410] =	vst v2  }
0x15: {  	[tilespmem:s12+$0x1420] =	vst v2  }
0x16: {  	[tilespmem:s12+$0x1430] =	vst v2  }
0x17: {  	[tilespmem:s12+$0x1440] =	vst v2  }
0x18: {  	[tilespmem:s12+$0x1450] =	vst v2  }
0x19: {  	[tilespmem:s12+$0x1460] =	vst v2  }
0x1a: {  	[tilespmem:s12+$0x1470] =	vst v2  }
0x1b: {  	[tilespmem:s12+$0x1800] =	vst v2  }
0x1c: {  	[tilespmem:s12+$0x1810] =	vst v2  }
0x1d: {  	[tilespmem:s12+$0x1820] =	vst v2  }
0x1e: {  	[tilespmem:s12+$0x1830] =	vst v2  }
0x1f: {  	s14 =	simm.s32 $0x100;
	s13 =	simm.s32 $0x80;
	[tilespmem:s12+$0x1840] =	vst v2  }
0x20: {  	s15 =	sand.u32 $0x3800, s14;
	s14 =	simm.s32 $0x200;
	s16 =	sand.u32 $0x380, s13;
	[tilespmem:s12+$0x1850] =	vst v2  }
.LBB2_2:
0x21: {  	p0 =	sne.s32 s14, $0x3F00;
	[tilespmem:s12+$0x1860] =	vst v2;
	s12 =	sor.u32 s16, s15  }
0x22: {  	[tilespmem:s12+$0x1870] =	vst v2  }
0x23: {  	[tilespmem:s12+$0x1400] =	vst v2  }
0x24: {  	[tilespmem:s12+$0x1410] =	vst v2  }
0x25: {  	[tilespmem:s12+$0x1420] =	vst v2  }
0x26: {  	[tilespmem:s12+$0x1430] =	vst v2  }
0x27: {  	[tilespmem:s12+$0x1440] =	vst v2  }
0x28: {  	[tilespmem:s12+$0x1450] =	vst v2  }
0x29: {  	[tilespmem:s12+$0x1460] =	vst v2  }
0x2a: {  	[tilespmem:s12+$0x1470] =	vst v2  }
0x2b: {  	[tilespmem:s12+$0x1800] =	vst v2  }
.Ltmp0:
0x2c: {  	[tilespmem:s12+$0x1810] =	vst v2;
	(pc) =	sbr.rel @p0 .LBB2_2-.Ltmp0, $4  }
0x2d: {  	[tilespmem:s12+$0x1820] =	vst v2  }
0x2e: {  	[tilespmem:s12+$0x1830] =	vst v2  }
0x2f: {  	s13 =	sadd.s32 $0x80, s13;
	[tilespmem:s12+$0x1840] =	vst v2  }
0x30: {  	s15 =	sand.u32 $0x3800, s14;
	s14 =	sadd.s32 $0x100, s14;
	s16 =	sand.u32 $0x380, s13;
	[tilespmem:s12+$0x1850] =	vst v2  }
0x31: {  	s13 =	sor.u32 s16, s15;
	[tilespmem:s12+$0x1860] =	vst v2  }
0x32: {  	[tilespmem:s13+$0x1870] =	vst v2  }
0x33: {  	[tilespmem:s13+$0x1400] =	vst v2  }
0x34: {  	[tilespmem:s13+$0x1410] =	vst v2  }
0x35: {  	[tilespmem:s13+$0x1420] =	vst v2  }
0x36: {  	[tilespmem:s13+$0x1430] =	vst v2  }
0x37: {  	[tilespmem:s13+$0x1440] =	vst v2  }
0x38: {  	[tilespmem:s13+$0x1450] =	vst v2  }
0x39: {  	[tilespmem:s13+$0x1460] =	vst v2  }
0x3a: {  	[tilespmem:s13+$0x1470] =	vst v2  }
0x3b: {  	[tilespmem:s13+$0x1800] =	vst v2  }
0x3c: {  	[tilespmem:s13+$0x1810] =	vst v2  }
0x3d: {  	[tilespmem:s13+$0x1820] =	vst v2  }
0x3e: {  	[tilespmem:s13+$0x1830] =	vst v2  }
0x3f: {  	[tilespmem:s13+$0x1840] =	vst v2  }
0x40: {  	[tilespmem:s13+$0x1850] =	vst v2  }
0x41: {  	[tilespmem:s13+$0x1860] =	vst v2  }
0x42: {  	_ =	swait.ge [sflag:s3], $0x1400  }
0x43: {  	[sflag:s3] =	ssyncset.done $0x0  }
0x44: {  	s12 =	simm.s32 $0x0;
	s13 =	smov.u32 s5;
	[sflag:s3] =	ssyncadd.s32 $0xFFFFEC00  }
.LBB2_4:
0x45: {  	s15 =	sadd.s32 $0xFFFFFFC0, s13;
	s14 =	sadd.s32 s12, s8  }
0x46: {  	s15 =	sand.u32 $0x70, s15;
	s16 =	sand.u32 $0x3F00, s14  }
0x47: {  	s15 =	sor.u32 s15, s16  }
0x48: {  	v4 =	vld [tilespmem:s15+$0x80]  }
0x49: {  	v5 =	vld [tilespmem:s15+$0x0];
	_ =	sdelay $0x3  }
0x4a: {  	v6 =	vsub.s32 v4, v0  }
0x4b: {  	v7 =	vshll.u32 v5, $0x3;
	v51 =	vshll.u32 v4, $0x7;
	v6 =	vshll.u32 v6, $0x8  }
0x4c: {  	vm0 =	vge.s32 v4, v0;
	v7 =	vand.u32 $0xFFFFFC00, v7;
	v6 =	vand.u32 $0xFFFFF800, v6  }
0x4d: {  	vm1 =	vlt.s32 v4, v1;
	v4 =	vand.u32 $0x380, v51;
	v6 =	vadd.s32 v7, v6  }
0x4e: {  	v5 =	vand.u32 $0x7F, v5;
	vm0 =	vmand vm0, vm1;
	v4 =	vor.u32 v4, v6  }
0x4f: {  	v4 =	vor.u32 v5, v4;
	_ =	sdelay $0x2  }
0x50: {  	s24 =	sadd.s32 $0xFFFFFFD0, s13;
	s25 =	sadd.s32 $0x20, s14  }
0x51: {  	s16 =	sand.u32 $0x7F00, s25;
	s15 =	sand.u32 $0x70, s24  }
0x52: {  	s15 =	sor.u32 s15, s16;
	[tilespmem:v4+s9+$0x0] =	vst.idx.add.f32.msk vm0, v3  }
0x53: {  	v4 =	vld [tilespmem:s15+$0x80]  }
0x54: {  	v5 =	vld [tilespmem:s15+$0x0];
	_ =	sdelay $0x3  }
0x55: {  	v52 =	vsub.s32 v4, v0  }
0x56: {  	v53 =	vshll.u32 v5, $0x3;
	v54 =	vshll.u32 v4, $0x7;
	v6 =	vshll.u32 v52, $0x8  }
0x57: {  	vm8 =	vge.s32 v4, v0;
	v7 =	vand.u32 $0xFFFFFC00, v53;
	v6 =	vand.u32 $0xFFFFF800, v6  }
0x58: {  	vm9 =	vlt.s32 v4, v1;
	v4 =	vand.u32 $0x380, v54;
	v6 =	vadd.s32 v7, v6  }
0x59: {  	v5 =	vand.u32 $0x7F, v5;
	vm0 =	vmand vm8, vm9;
	v4 =	vor.u32 v4, v6  }
0x5a: {  	v4 =	vor.u32 v5, v4;
	_ =	sdelay $0x2  }
0x5b: {  	s26 =	sadd.s32 $0xFFFFFFE0, s13;
	s28 =	sadd.s32 $0x40, s14  }
0x5c: {  	s16 =	sand.u32 $0x7F00, s28;
	s15 =	sand.u32 $0x70, s26  }
0x5d: {  	s15 =	sor.u32 s15, s16;
	[tilespmem:v4+s9+$0x0] =	vst.idx.add.f32.msk vm0, v3  }
0x5e: {  	v4 =	vld [tilespmem:s15+$0x80]  }
0x5f: {  	v5 =	vld [tilespmem:s15+$0x0];
	_ =	sdelay $0x3  }
0x60: {  	v55 =	vsub.s32 v4, v0  }
0x61: {  	v56 =	vshll.u32 v5, $0x3;
	v57 =	vshll.u32 v4, $0x7;
	v6 =	vshll.u32 v55, $0x8  }
0x62: {  	vm10 =	vge.s32 v4, v0;
	v7 =	vand.u32 $0xFFFFFC00, v56;
	v6 =	vand.u32 $0xFFFFF800, v6  }
0x63: {  	vm11 =	vlt.s32 v4, v1;
	v4 =	vand.u32 $0x380, v57;
	v6 =	vadd.s32 v7, v6  }
0x64: {  	v5 =	vand.u32 $0x7F, v5;
	vm0 =	vmand vm10, vm11;
	v4 =	vor.u32 v4, v6  }
0x65: {  	v4 =	vor.u32 v5, v4;
	_ =	sdelay $0x2  }
0x66: {  	s29 =	sadd.s32 $0xFFFFFFF0, s13;
	s30 =	sadd.s32 $0x60, s14  }
0x67: {  	s16 =	sand.u32 $0x7F00, s30;
	s15 =	sand.u32 $0x70, s29  }
0x68: {  	s15 =	sor.u32 s15, s16;
	[tilespmem:v4+s9+$0x0] =	vst.idx.add.f32.msk vm0, v3  }
0x69: {  	v4 =	vld [tilespmem:s15+$0x80]  }
0x6a: {  	v5 =	vld [tilespmem:s15+$0x0];
	_ =	sdelay $0x3  }
0x6b: {  	v58 =	vsub.s32 v4, v0  }
0x6c: {  	v59 =	vshll.u32 v5, $0x3;
	v60 =	vshll.u32 v4, $0x7;
	v6 =	vshll.u32 v58, $0x8  }
0x6d: {  	vm12 =	vge.s32 v4, v0;
	v7 =	vand.u32 $0xFFFFFC00, v59;
	v6 =	vand.u32 $0xFFFFF800, v6  }
0x6e: {  	vm13 =	vlt.s32 v4, v1;
	v4 =	vand.u32 $0x380, v60;
	v6 =	vadd.s32 v7, v6  }
0x6f: {  	v5 =	vand.u32 $0x7F, v5;
	vm0 =	vmand vm12, vm13;
	v4 =	vor.u32 v4, v6  }
0x70: {  	v4 =	vor.u32 v5, v4;
	_ =	sdelay $0x2  }
0x71: {  	s14 =	sadd.s32 $0x80, s14  }
0x72: {  	s31 =	sand.u32 $0x70, s13;
	s14 =	sand.u32 $0x7F00, s14  }
0x73: {  	s14 =	sor.u32 s31, s14;
	[tilespmem:v4+s9+$0x0] =	vst.idx.add.f32.msk vm0, v3  }
0x74: {  	v4 =	vld [tilespmem:s14+$0x80]  }
0x75: {  	v5 =	vld [tilespmem:s14+$0x0];
	_ =	sdelay $0x3  }
0x76: {  	v61 =	vsub.s32 v4, v0  }
0x77: {  	v62 =	vshll.u32 v5, $0x3;
	v63 =	vshll.u32 v4, $0x7;
	v6 =	vshll.u32 v61, $0x8  }
0x78: {  	vm14 =	vge.s32 v4, v0;
	v7 =	vand.u32 $0xFFFFFC00, v62;
	v6 =	vand.u32 $0xFFFFF800, v6  }
0x79: {  	vm15 =	vlt.s32 v4, v1;
	v4 =	vand.u32 $0x380, v63;
	v6 =	vadd.s32 v7, v6  }
0x7a: {  	v5 =	vand.u32 $0x7F, v5;
	vm0 =	vmand vm14, vm15;
	v4 =	vor.u32 v4, v6  }
0x7b: {  	p0 =	sne.s32 s12, $0xF00;
	v4 =	vor.u32 v5, v4  }
.Ltmp1:
0x7c: {  	_ = 	snop;
	(pc) =	sbr.rel @p0 .LBB2_4-.Ltmp1, $2  }
0x7d: {  	_ =	sdelay $0x2  }
0x7e: {  	s13 =	sadd.s32 $0x50, s13;
	s12 =	sadd.s32 $0xA0, s12;
	[tilespmem:v4+s9+$0x0] =	vst.idx.add.f32.msk vm0, v3  }
0x7f: {  	s11 =	sadd.s32 $0x1, s11  }
0x80: {  	p0 =	sne.s32 s11, s7  }
.Ltmp2:
0x81: {  	_ = 	snop;
	(pc) =	sbr.rel @p0 .LBB2_1-.Ltmp2, $4  }
0x82: {  	[hbm4b:s6+s2] =	stream.linear.scatter [tilespmem:s9], [sflag:$0x2], $0x4000, $0x38;
	[tilespmem:$0x5400] =	vst v63  }
0x83: {  	_ =	swait.ge [sflag:s10], $0x4000  }
0x84: {  	[sflag:s10] =	ssyncset.done $0x0  }
0x85: {  	[sflag:s10] =	ssyncadd.s32 $0xFFFFC000  }
0x86: {  	_ =	sfence.sel $0x180000  }
0x87: {  	[bflag:$0x0] =	sbarrier.arrive $0xFFFF  }
0x88: {  	p0 =	sne.s32 s0, $0x0;
	_ =	strace $0x90000047  }
0x89: {  	s0 =	sadd.s32 @!p0 $0x100000, s1;
	[bflag:$0x2] =	sbarrier.arrive $0xFFFF  }
0x8a: {  	[sflag:s0] =	ssyncadd.tile.s32 @!p0 $0x1;
	_ =	shalt  }
.Lfunc_end2:
_tile_overlayer_lowered:
.L_overlay_start_2:
0x8b: {  	(tag) =	ssettag $0x2  }
0x8c: {  	s0 =	rddreg [dreg:$0x0];
	s2 =	stileid.u32  }
0x8d: {  	s1 =	rddreg [dreg:$0x1];
	p0 =	sne.s32 s2, $0x0  }
0x8e: {  	s3 =	rddreg [dreg:$0x2];
	[bflag:$0x3] =	sbarrier.arrive $0xFFFF;
	s2 =	simm.s32 @!p0 $0x1C02  }
0x8f: {  	[timem:s3], [sflag:s2] =	dma.local @!p0 [hbm:s0], s1  }
0x90: {  	s0 =	simm.s32 @!p0 $0x2  }
0x91: {  	_ =	swait.ge @!p0 [sflag:s0], s1  }
0x92: {  	s1 =	ssub.s32 @!p0 $0x0, s1;
	[sflag:s0] =	ssyncset.done @!p0 $0x0  }
0x93: {  	[sflag:s0] =	ssyncadd.s32 @!p0 s1  }
0x94: {  	[bflag:$0x3] =	sbarrier.arrive $0xFFFF  }
0x95: {  	_ =	shalt  }

</sc_bundles>
